<compile_context>
chip_gen: v7x
topology: tpu7x:2x2x1
jax: 0.10.2.dev20260603
libtpu: 0.0.44.dev20260713+nightly
codegen_flags: <defaults>
</compile_context>

<pallas_src>
import jax
import jax.numpy as jnp
from jax import lax
from jax.experimental import pallas as pl
from jax.experimental.pallas import tpu as pltpu
from jax.experimental.pallas import tpu_sc as plsc

_NUM_CORES = 2
_NUM_SUBCORES = 16
_NUM_WORKERS = _NUM_CORES * _NUM_SUBCORES
_CHUNK = 128
_WIDE = 128
_TBLOCK = 512


def kernel(scentences, table):
    batch, seq = scentences.shape
    num_indices = batch * seq
    embed_dim = table.shape[1]
    per_worker = num_indices // _NUM_WORKERS
    nchunks = per_worker // _CHUNK

    indices = scentences.reshape(num_indices).astype(jnp.int32)
    selector = jnp.eye(embed_dim, _WIDE, dtype=table.dtype)
    table_pad = jax.lax.dot_general(
        table,
        selector,
        (((1,), (0,)), ((), ())),
        precision=jax.lax.Precision.HIGHEST,
    )

    mesh = plsc.VectorSubcoreMesh(
        core_axis_name="core", subcore_axis_name="subcore"
    )

    @pl.kernel(
        out_type=jax.ShapeDtypeStruct((num_indices, _WIDE), table.dtype),
        mesh=mesh,
        compiler_params=pltpu.CompilerParams(use_tc_tiling_on_sc=False),
        scratch_types=[
            pltpu.VMEM((per_worker,), jnp.int32),
            pltpu.VMEM((2, _CHUNK, _WIDE), jnp.float32),
            pltpu.SemaphoreType.DMA,
            pltpu.SemaphoreType.DMA,
            pltpu.SemaphoreType.DMA,
            pltpu.SemaphoreType.DMA,
        ],
    )
    def gather_kernel(
        table_hbm, idx_hbm, out_hbm,
        idx_v, buf_v, gsem0, gsem1, osem0, osem1,
    ):
        wid = lax.axis_index("subcore") * _NUM_CORES + lax.axis_index("core")
        base = wid * per_worker
        gsems = (gsem0, gsem1)
        osems = (osem0, osem1)
        pltpu.sync_copy(idx_hbm.at[pl.ds(base, per_worker)], idx_v)

        def fire_gather(c, b):
            return pltpu.async_copy(
                table_hbm.at[idx_v.at[pl.ds(c * _CHUNK, _CHUNK)]],
                buf_v.at[b],
                gsems[b],
            )

        def fire_out(c, b):
            return pltpu.async_copy(
                buf_v.at[b],
                out_hbm.at[pl.ds(base + c * _CHUNK, _CHUNK)],
                osems[b],
            )

        def wait_gather(b):
            pltpu.make_async_copy(
                table_hbm.at[idx_v.at[pl.ds(0, _CHUNK)]],
                buf_v.at[b],
                gsems[b],
            ).wait()

        def wait_out(b):
            pltpu.make_async_copy(
                buf_v.at[b],
                out_hbm.at[pl.ds(base, _CHUNK)],
                osems[b],
            ).wait()

        fire_gather(0, 0)

        @pl.loop(0, nchunks, step=2)
        def _(c0):
            for b in range(2):
                c = c0 + b
                nb = 1 - b
                @pl.when(c + 1 < nchunks)
                def _():
                    @pl.when(c >= 1)
                    def _():
                        wait_out(nb)
                    fire_gather(c + 1, nb)

                wait_gather(b)
                fire_out(c, b)

        for b in range(2):
            wait_out(b)

    out = gather_kernel(table_pad, indices)
    return out[:, :embed_dim].reshape(batch, seq, embed_dim)

# --- scband reference (transcript-rebuilt; emitter-appended) ---
"""Pipeline reference for scband-lazy-embedding-28054726377575 (READ-ONLY COPY).

The authoritative reference and input builder live on the scoring server;
editing this copy changes nothing except your own understanding.
"""

import jax, jax.numpy as jnp
import numpy as np

MAX_WORDS = 1000000
EMBED_DIM = 32
BATCH = 4096
SEQ = 50

def setup_inputs(seed: int = 0) -> dict:
    key = jax.random.key(seed)
    k1, k2 = jax.random.split(key)
    # The original module lazily maps words -> integer ids, then pads and looks up.
    # We model the post-tokenization state: a padded id tensor of shape [B, L].
    indices = jax.random.randint(k1, (BATCH, SEQ), 0, MAX_WORDS, dtype=jnp.int64)
    table = jax.random.normal(k2, (MAX_WORDS + 1, EMBED_DIM), dtype=jnp.float32)
    return {"scentences": indices, "table": table}

def reference(scentences, table):
    # Faithful core computation: embedding lookup on padded id matrix.
    # (String tokenization / pack_sequence ordering is identity once ids are padded,
    #  since padded[np.argsort(len_ord)] restores the original batch order.)
    return jnp.take(table, scentences, axis=0)

if __name__ == "__main__":
    import jax
    _d = setup_inputs()
    print(jax.jit(kernel)(*tuple(_d.values())))

</pallas_src>

<mosaic_0001>
#map = affine_map<(d0, d1) -> (0, 0)>
#map1 = affine_map<(d0, d1) -> (0)>
module attributes {stable_mosaic.version = 14 : i64} {
  func.func @gather_kernel(%arg0: i32, %arg1: i32, %arg2: memref<1000001x128xf32, #tpu.memory_space<hbm>>, %arg3: memref<204800xi32, #tpu.memory_space<hbm>>, %arg4: memref<204800x128xf32, #tpu.memory_space<hbm>>, %arg5: memref<6400xi32, #tpu.memory_space<vmem>>, %arg6: memref<2x128x128xf32, #tpu.memory_space<vmem>>, %arg7: memref<!tpu.dma_semaphore, #tpu.memory_space<semaphore_mem>>, %arg8: memref<!tpu.dma_semaphore, #tpu.memory_space<semaphore_mem>>, %arg9: memref<!tpu.dma_semaphore, #tpu.memory_space<semaphore_mem>>, %arg10: memref<!tpu.dma_semaphore, #tpu.memory_space<semaphore_mem>>) attributes {dimension_semantics = [#tpu.dimension_semantics<core_parallel>, #tpu.dimension_semantics<subcore_parallel>], iteration_bounds = array<i64: 2, 16>, scalar_prefetch = 0 : i64, scratch_operands = 6 : i64, tpu.core_type = #tpu.core_type<sc_vector_subcore>, window_params = [{transform_indices = #map}, {transform_indices = #map1}, {transform_indices = #map}]} {
    %mul3A = arith.constant 2 : i32
    %mul3A_0 = arith.muli %arg1, %mul3A : i32
    %add3A = arith.addi %mul3A_0, %arg0 : i32
    %mul3A_1 = arith.constant 6400 : i32
    %mul3A_2 = arith.muli %add3A, %mul3A_1 : i32
    "tpu.region"() ({
      %run_scoped3A = tpu.sem_alloc : memref<!tpu.dma_semaphore, #tpu.memory_space<semaphore_mem>>
      %dma_start3A_41 = tpu.memref_slice %arg3[%mul3A_2] : memref<204800xi32, #tpu.memory_space<hbm>> -> memref<6400xi32, #tpu.memory_space<hbm>>
      %dma_start3A_42 = tpu.memref_slice %arg3[%mul3A_2] : memref<204800xi32, #tpu.memory_space<hbm>> -> memref<6400xi32, #tpu.memory_space<hbm>>
      tpu.enqueue_dma source(%dma_start3A_42 : memref<6400xi32, #tpu.memory_space<hbm>>) target(%arg5 : memref<6400xi32, #tpu.memory_space<vmem>>) target_semaphore(%run_scoped3A : memref<!tpu.dma_semaphore, #tpu.memory_space<semaphore_mem>>)
      %dma_wait3A_43 = tpu.memref_slice %arg3[%mul3A_2] : memref<204800xi32, #tpu.memory_space<hbm>> -> memref<6400xi32, #tpu.memory_space<hbm>>
      %dma_wait3A_44 = tpu.memref_slice %arg3[%mul3A_2] : memref<204800xi32, #tpu.memory_space<hbm>> -> memref<6400xi32, #tpu.memory_space<hbm>>
      tpu.wait_dma2 semaphore(%run_scoped3A : memref<!tpu.dma_semaphore, #tpu.memory_space<semaphore_mem>>) src(%dma_wait3A_44 : memref<6400xi32, #tpu.memory_space<hbm>>) dst(%arg5 : memref<6400xi32, #tpu.memory_space<vmem>>)
      tpu.yield
    }) : () -> ()
    %dma_start3A = arith.constant 0 : i32
    %dma_start3A_3 = arith.constant 0 : i32
    %dma_start3A_4 = arith.constant 0 : i32
    %dma_start3A_5 = tpu.memref_slice %arg6[%dma_start3A, %dma_start3A_3, %dma_start3A_4] : memref<2x128x128xf32, #tpu.memory_space<vmem>> -> memref<1x128x128xf32, #tpu.memory_space<vmem>>
    %dma_start3A_6 = tpu.memref_squeeze %dma_start3A_5 : memref<1x128x128xf32, #tpu.memory_space<vmem>> -> memref<128x128xf32, #tpu.memory_space<vmem>>
    %dma_start3A_7 = arith.constant 0 : i32
    %dma_start3A_8 = tpu.memref_slice %arg5[%dma_start3A_7] : memref<6400xi32, #tpu.memory_space<vmem>> -> memref<128xi32, #tpu.memory_space<vmem>>
    %dma_start3A_9 = arith.constant 0 : i32
    %dma_start3A_10 = arith.constant 0 : i32
    %dma_start3A_11 = tpu.memref_slice %arg2[%dma_start3A_9, %dma_start3A_10] : memref<1000001x128xf32, #tpu.memory_space<hbm>> -> memref<1000001x128xf32, #tpu.memory_space<hbm>>
    tpu.enqueue_indirect_dma source(%dma_start3A_11 : memref<1000001x128xf32, #tpu.memory_space<hbm>>) target(%dma_start3A_6 : memref<128x128xf32, #tpu.memory_space<vmem>>) offsets(%dma_start3A_8 : memref<128xi32, #tpu.memory_space<vmem>>) semaphore(%arg7 : memref<!tpu.dma_semaphore, #tpu.memory_space<semaphore_mem>>)
    %scan3A = arith.constant 0 : i32
    %scan3A_12 = arith.constant 25 : i32
    %scan3A_13 = arith.addi %scan3A, %scan3A_12 : i32
    %scan3A_14 = arith.constant 1 : i32
    scf.for %scan3A_41 = %scan3A to %scan3A_13 step %scan3A_14  : i32 {
      %mul3A_42 = arith.constant 2 : i32
      %mul3A_43 = arith.muli %scan3A_41, %mul3A_42 : i32
      %add3A_44 = arith.constant 0 : i32
      %add3A_45 = arith.addi %add3A_44, %mul3A_43 : i32
      %add3A_46 = arith.constant 0 : i32
      %add3A_47 = arith.addi %add3A_45, %add3A_46 : i32
      %add3A_48 = arith.constant 1 : i32
      %add3A_49 = arith.addi %add3A_47, %add3A_48 : i32
      %lt3A = arith.constant 50 : i32
      %lt3A_50 = arith.cmpi slt, %add3A_49, %lt3A : i32
      %convert_element_type3A = arith.extui %lt3A_50 : i1 to i32
      %cond3A = arith.constant 0 : i32
      %cond3A_51 = arith.cmpi ne, %convert_element_type3A, %cond3A : i32
      scf.if %cond3A_51 {
        %ge3A = arith.constant 1 : i32
        %ge3A_113 = arith.cmpi sge, %add3A_47, %ge3A : i32
        %convert_element_type3A_114 = arith.extui %ge3A_113 : i1 to i32
        %cond3A_115 = arith.constant 0 : i32
        %cond3A_116 = arith.cmpi ne, %convert_element_type3A_114, %cond3A_115 : i32
        scf.if %cond3A_116 {
          %dma_wait3A_130 = arith.constant 1 : i32
          %dma_wait3A_131 = arith.constant 0 : i32
          %dma_wait3A_132 = arith.constant 0 : i32
          %dma_wait3A_133 = tpu.memref_slice %arg6[%dma_wait3A_130, %dma_wait3A_131, %dma_wait3A_132] : memref<2x128x128xf32, #tpu.memory_space<vmem>> -> memref<1x128x128xf32, #tpu.memory_space<vmem>>
          %dma_wait3A_134 = tpu.memref_squeeze %dma_wait3A_133 : memref<1x128x128xf32, #tpu.memory_space<vmem>> -> memref<128x128xf32, #tpu.memory_space<vmem>>
          %dma_wait3A_135 = arith.constant 0 : i32
          %dma_wait3A_136 = tpu.memref_slice %arg4[%mul3A_2, %dma_wait3A_135] : memref<204800x128xf32, #tpu.memory_space<hbm>> -> memref<128x128xf32, #tpu.memory_space<hbm>>
          %dma_wait3A_137 = arith.constant 0 : i32
          %dma_wait3A_138 = tpu.memref_slice %arg4[%mul3A_2, %dma_wait3A_137] : memref<204800x128xf32, #tpu.memory_space<hbm>> -> memref<128x128xf32, #tpu.memory_space<hbm>>
          %dma_wait3A_139 = arith.constant 0 : i32
          %dma_wait3A_140 = arith.constant 0 : i32
          %dma_wait3A_141 = tpu.memref_slice %arg6[%dma_wait3A_130, %dma_wait3A_139, %dma_wait3A_140] : memref<2x128x128xf32, #tpu.memory_space<vmem>> -> memref<1x128x128xf32, #tpu.memory_space<vmem>>
          %dma_wait3A_142 = tpu.memref_squeeze %dma_wait3A_141 : memref<1x128x128xf32, #tpu.memory_space<vmem>> -> memref<128x128xf32, #tpu.memory_space<vmem>>
          tpu.wait_dma2 semaphore(%arg10 : memref<!tpu.dma_semaphore, #tpu.memory_space<semaphore_mem>>) src(%dma_wait3A_142 : memref<128x128xf32, #tpu.memory_space<vmem>>) dst(%dma_wait3A_138 : memref<128x128xf32, #tpu.memory_space<hbm>>)
        } else {
        }
        %add3A_117 = arith.constant 1 : i32
        %add3A_118 = arith.addi %add3A_47, %add3A_117 : i32
        %mul3A_119 = arith.constant 128 : i32
        %mul3A_120 = arith.muli %add3A_118, %mul3A_119 : i32
        %dma_start3A_121 = arith.constant 1 : i32
        %dma_start3A_122 = arith.constant 0 : i32
        %dma_start3A_123 = arith.constant 0 : i32
        %dma_start3A_124 = tpu.memref_slice %arg6[%dma_start3A_121, %dma_start3A_122, %dma_start3A_123] : memref<2x128x128xf32, #tpu.memory_space<vmem>> -> memref<1x128x128xf32, #tpu.memory_space<vmem>>
        %dma_start3A_125 = tpu.memref_squeeze %dma_start3A_124 : memref<1x128x128xf32, #tpu.memory_space<vmem>> -> memref<128x128xf32, #tpu.memory_space<vmem>>
        %dma_start3A_126 = tpu.memref_slice %arg5[%mul3A_120] : memref<6400xi32, #tpu.memory_space<vmem>> -> memref<128xi32, #tpu.memory_space<vmem>>
        %dma_start3A_127 = arith.constant 0 : i32
        %dma_start3A_128 = arith.constant 0 : i32
        %dma_start3A_129 = tpu.memref_slice %arg2[%dma_start3A_127, %dma_start3A_128] : memref<1000001x128xf32, #tpu.memory_space<hbm>> -> memref<1000001x128xf32, #tpu.memory_space<hbm>>
        tpu.enqueue_indirect_dma source(%dma_start3A_129 : memref<1000001x128xf32, #tpu.memory_space<hbm>>) target(%dma_start3A_125 : memref<128x128xf32, #tpu.memory_space<vmem>>) offsets(%dma_start3A_126 : memref<128xi32, #tpu.memory_space<vmem>>) semaphore(%arg8 : memref<!tpu.dma_semaphore, #tpu.memory_space<semaphore_mem>>)
      } else {
      }
      %dma_wait3A_52 = arith.constant 0 : i32
      %dma_wait3A_53 = arith.constant 0 : i32
      %dma_wait3A_54 = arith.constant 0 : i32
      %dma_wait3A_55 = tpu.memref_slice %arg6[%dma_wait3A_52, %dma_wait3A_53, %dma_wait3A_54] : memref<2x128x128xf32, #tpu.memory_space<vmem>> -> memref<1x128x128xf32, #tpu.memory_space<vmem>>
      %dma_wait3A_56 = tpu.memref_squeeze %dma_wait3A_55 : memref<1x128x128xf32, #tpu.memory_space<vmem>> -> memref<128x128xf32, #tpu.memory_space<vmem>>
      %dma_wait3A_57 = arith.constant 0 : i32
      %dma_wait3A_58 = tpu.memref_slice %arg5[%dma_wait3A_57] : memref<6400xi32, #tpu.memory_space<vmem>> -> memref<128xi32, #tpu.memory_space<vmem>>
      %dma_wait3A_59 = arith.constant 0 : i32
      %dma_wait3A_60 = arith.constant 0 : i32
      %dma_wait3A_61 = tpu.memref_slice %arg2[%dma_wait3A_59, %dma_wait3A_60] : memref<1000001x128xf32, #tpu.memory_space<hbm>> -> memref<1000001x128xf32, #tpu.memory_space<hbm>>
      tpu.wait_indirect_dma semaphore(%arg7 : memref<!tpu.dma_semaphore, #tpu.memory_space<semaphore_mem>>) src(%dma_wait3A_61 : memref<1000001x128xf32, #tpu.memory_space<hbm>>) dst(%dma_wait3A_56 : memref<128x128xf32, #tpu.memory_space<vmem>>)
      %mul3A_62 = arith.constant 128 : i32
      %mul3A_63 = arith.muli %add3A_47, %mul3A_62 : i32
      %add3A_64 = arith.addi %mul3A_2, %mul3A_63 : i32
      %dma_start3A_65 = arith.constant 0 : i32
      %dma_start3A_66 = arith.constant 0 : i32
      %dma_start3A_67 = arith.constant 0 : i32
      %dma_start3A_68 = tpu.memref_slice %arg6[%dma_start3A_65, %dma_start3A_66, %dma_start3A_67] : memref<2x128x128xf32, #tpu.memory_space<vmem>> -> memref<1x128x128xf32, #tpu.memory_space<vmem>>
      %dma_start3A_69 = tpu.memref_squeeze %dma_start3A_68 : memref<1x128x128xf32, #tpu.memory_space<vmem>> -> memref<128x128xf32, #tpu.memory_space<vmem>>
      %dma_start3A_70 = arith.constant 0 : i32
      %dma_start3A_71 = tpu.memref_slice %arg4[%add3A_64, %dma_start3A_70] : memref<204800x128xf32, #tpu.memory_space<hbm>> -> memref<128x128xf32, #tpu.memory_space<hbm>>
      %dma_start3A_72 = arith.constant 0 : i32
      %dma_start3A_73 = tpu.memref_slice %arg4[%add3A_64, %dma_start3A_72] : memref<204800x128xf32, #tpu.memory_space<hbm>> -> memref<128x128xf32, #tpu.memory_space<hbm>>
      %dma_start3A_74 = arith.constant 0 : i32
      %dma_start3A_75 = arith.constant 0 : i32
      %dma_start3A_76 = tpu.memref_slice %arg6[%dma_start3A_65, %dma_start3A_74, %dma_start3A_75] : memref<2x128x128xf32, #tpu.memory_space<vmem>> -> memref<1x128x128xf32, #tpu.memory_space<vmem>>
      %dma_start3A_77 = tpu.memref_squeeze %dma_start3A_76 : memref<1x128x128xf32, #tpu.memory_space<vmem>> -> memref<128x128xf32, #tpu.memory_space<vmem>>
      tpu.enqueue_dma source(%dma_start3A_77 : memref<128x128xf32, #tpu.memory_space<vmem>>) target(%dma_start3A_73 : memref<128x128xf32, #tpu.memory_space<hbm>>) target_semaphore(%arg9 : memref<!tpu.dma_semaphore, #tpu.memory_space<semaphore_mem>>)
      %add3A_78 = arith.constant 1 : i32
      %add3A_79 = arith.addi %add3A_45, %add3A_78 : i32
      %add3A_80 = arith.constant 1 : i32
      %add3A_81 = arith.addi %add3A_79, %add3A_80 : i32
      %lt3A_82 = arith.constant 50 : i32
      %lt3A_83 = arith.cmpi slt, %add3A_81, %lt3A_82 : i32
      %convert_element_type3A_84 = arith.extui %lt3A_83 : i1 to i32
      %cond3A_85 = arith.constant 0 : i32
      %cond3A_86 = arith.cmpi ne, %convert_element_type3A_84, %cond3A_85 : i32
      scf.if %cond3A_86 {
        %ge3A = arith.constant 1 : i32
        %ge3A_113 = arith.cmpi sge, %add3A_79, %ge3A : i32
        %convert_element_type3A_114 = arith.extui %ge3A_113 : i1 to i32
        %cond3A_115 = arith.constant 0 : i32
        %cond3A_116 = arith.cmpi ne, %convert_element_type3A_114, %cond3A_115 : i32
        scf.if %cond3A_116 {
          %dma_wait3A_130 = arith.constant 0 : i32
          %dma_wait3A_131 = arith.constant 0 : i32
          %dma_wait3A_132 = arith.constant 0 : i32
          %dma_wait3A_133 = tpu.memref_slice %arg6[%dma_wait3A_130, %dma_wait3A_131, %dma_wait3A_132] : memref<2x128x128xf32, #tpu.memory_space<vmem>> -> memref<1x128x128xf32, #tpu.memory_space<vmem>>
          %dma_wait3A_134 = tpu.memref_squeeze %dma_wait3A_133 : memref<1x128x128xf32, #tpu.memory_space<vmem>> -> memref<128x128xf32, #tpu.memory_space<vmem>>
          %dma_wait3A_135 = arith.constant 0 : i32
          %dma_wait3A_136 = tpu.memref_slice %arg4[%mul3A_2, %dma_wait3A_135] : memref<204800x128xf32, #tpu.memory_space<hbm>> -> memref<128x128xf32, #tpu.memory_space<hbm>>
          %dma_wait3A_137 = arith.constant 0 : i32
          %dma_wait3A_138 = tpu.memref_slice %arg4[%mul3A_2, %dma_wait3A_137] : memref<204800x128xf32, #tpu.memory_space<hbm>> -> memref<128x128xf32, #tpu.memory_space<hbm>>
          %dma_wait3A_139 = arith.constant 0 : i32
          %dma_wait3A_140 = arith.constant 0 : i32
          %dma_wait3A_141 = tpu.memref_slice %arg6[%dma_wait3A_130, %dma_wait3A_139, %dma_wait3A_140] : memref<2x128x128xf32, #tpu.memory_space<vmem>> -> memref<1x128x128xf32, #tpu.memory_space<vmem>>
          %dma_wait3A_142 = tpu.memref_squeeze %dma_wait3A_141 : memref<1x128x128xf32, #tpu.memory_space<vmem>> -> memref<128x128xf32, #tpu.memory_space<vmem>>
          tpu.wait_dma2 semaphore(%arg9 : memref<!tpu.dma_semaphore, #tpu.memory_space<semaphore_mem>>) src(%dma_wait3A_142 : memref<128x128xf32, #tpu.memory_space<vmem>>) dst(%dma_wait3A_138 : memref<128x128xf32, #tpu.memory_space<hbm>>)
        } else {
        }
        %add3A_117 = arith.constant 1 : i32
        %add3A_118 = arith.addi %add3A_79, %add3A_117 : i32
        %mul3A_119 = arith.constant 128 : i32
        %mul3A_120 = arith.muli %add3A_118, %mul3A_119 : i32
        %dma_start3A_121 = arith.constant 0 : i32
        %dma_start3A_122 = arith.constant 0 : i32
        %dma_start3A_123 = arith.constant 0 : i32
        %dma_start3A_124 = tpu.memref_slice %arg6[%dma_start3A_121, %dma_start3A_122, %dma_start3A_123] : memref<2x128x128xf32, #tpu.memory_space<vmem>> -> memref<1x128x128xf32, #tpu.memory_space<vmem>>
        %dma_start3A_125 = tpu.memref_squeeze %dma_start3A_124 : memref<1x128x128xf32, #tpu.memory_space<vmem>> -> memref<128x128xf32, #tpu.memory_space<vmem>>
        %dma_start3A_126 = tpu.memref_slice %arg5[%mul3A_120] : memref<6400xi32, #tpu.memory_space<vmem>> -> memref<128xi32, #tpu.memory_space<vmem>>
        %dma_start3A_127 = arith.constant 0 : i32
        %dma_start3A_128 = arith.constant 0 : i32
        %dma_start3A_129 = tpu.memref_slice %arg2[%dma_start3A_127, %dma_start3A_128] : memref<1000001x128xf32, #tpu.memory_space<hbm>> -> memref<1000001x128xf32, #tpu.memory_space<hbm>>
        tpu.enqueue_indirect_dma source(%dma_start3A_129 : memref<1000001x128xf32, #tpu.memory_space<hbm>>) target(%dma_start3A_125 : memref<128x128xf32, #tpu.memory_space<vmem>>) offsets(%dma_start3A_126 : memref<128xi32, #tpu.memory_space<vmem>>) semaphore(%arg7 : memref<!tpu.dma_semaphore, #tpu.memory_space<semaphore_mem>>)
      } else {
      }
      %dma_wait3A_87 = arith.constant 1 : i32
      %dma_wait3A_88 = arith.constant 0 : i32
      %dma_wait3A_89 = arith.constant 0 : i32
      %dma_wait3A_90 = tpu.memref_slice %arg6[%dma_wait3A_87, %dma_wait3A_88, %dma_wait3A_89] : memref<2x128x128xf32, #tpu.memory_space<vmem>> -> memref<1x128x128xf32, #tpu.memory_space<vmem>>
      %dma_wait3A_91 = tpu.memref_squeeze %dma_wait3A_90 : memref<1x128x128xf32, #tpu.memory_space<vmem>> -> memref<128x128xf32, #tpu.memory_space<vmem>>
      %dma_wait3A_92 = arith.constant 0 : i32
      %dma_wait3A_93 = tpu.memref_slice %arg5[%dma_wait3A_92] : memref<6400xi32, #tpu.memory_space<vmem>> -> memref<128xi32, #tpu.memory_space<vmem>>
      %dma_wait3A_94 = arith.constant 0 : i32
      %dma_wait3A_95 = arith.constant 0 : i32
      %dma_wait3A_96 = tpu.memref_slice %arg2[%dma_wait3A_94, %dma_wait3A_95] : memref<1000001x128xf32, #tpu.memory_space<hbm>> -> memref<1000001x128xf32, #tpu.memory_space<hbm>>
      tpu.wait_indirect_dma semaphore(%arg8 : memref<!tpu.dma_semaphore, #tpu.memory_space<semaphore_mem>>) src(%dma_wait3A_96 : memref<1000001x128xf32, #tpu.memory_space<hbm>>) dst(%dma_wait3A_91 : memref<128x128xf32, #tpu.memory_space<vmem>>)
      %mul3A_97 = arith.constant 128 : i32
      %mul3A_98 = arith.muli %add3A_79, %mul3A_97 : i32
      %add3A_99 = arith.addi %mul3A_2, %mul3A_98 : i32
      %dma_start3A_100 = arith.constant 1 : i32
      %dma_start3A_101 = arith.constant 0 : i32
      %dma_start3A_102 = arith.constant 0 : i32
      %dma_start3A_103 = tpu.memref_slice %arg6[%dma_start3A_100, %dma_start3A_101, %dma_start3A_102] : memref<2x128x128xf32, #tpu.memory_space<vmem>> -> memref<1x128x128xf32, #tpu.memory_space<vmem>>
      %dma_start3A_104 = tpu.memref_squeeze %dma_start3A_103 : memref<1x128x128xf32, #tpu.memory_space<vmem>> -> memref<128x128xf32, #tpu.memory_space<vmem>>
      %dma_start3A_105 = arith.constant 0 : i32
      %dma_start3A_106 = tpu.memref_slice %arg4[%add3A_99, %dma_start3A_105] : memref<204800x128xf32, #tpu.memory_space<hbm>> -> memref<128x128xf32, #tpu.memory_space<hbm>>
      %dma_start3A_107 = arith.constant 0 : i32
      %dma_start3A_108 = tpu.memref_slice %arg4[%add3A_99, %dma_start3A_107] : memref<204800x128xf32, #tpu.memory_space<hbm>> -> memref<128x128xf32, #tpu.memory_space<hbm>>
      %dma_start3A_109 = arith.constant 0 : i32
      %dma_start3A_110 = arith.constant 0 : i32
      %dma_start3A_111 = tpu.memref_slice %arg6[%dma_start3A_100, %dma_start3A_109, %dma_start3A_110] : memref<2x128x128xf32, #tpu.memory_space<vmem>> -> memref<1x128x128xf32, #tpu.memory_space<vmem>>
      %dma_start3A_112 = tpu.memref_squeeze %dma_start3A_111 : memref<1x128x128xf32, #tpu.memory_space<vmem>> -> memref<128x128xf32, #tpu.memory_space<vmem>>
      tpu.enqueue_dma source(%dma_start3A_112 : memref<128x128xf32, #tpu.memory_space<vmem>>) target(%dma_start3A_108 : memref<128x128xf32, #tpu.memory_space<hbm>>) target_semaphore(%arg10 : memref<!tpu.dma_semaphore, #tpu.memory_space<semaphore_mem>>)
    }
    %scan3A_15 = arith.constant 25 : i32
    %dma_wait3A = arith.constant 0 : i32
    %dma_wait3A_16 = arith.constant 0 : i32
    %dma_wait3A_17 = arith.constant 0 : i32
    %dma_wait3A_18 = tpu.memref_slice %arg6[%dma_wait3A, %dma_wait3A_16, %dma_wait3A_17] : memref<2x128x128xf32, #tpu.memory_space<vmem>> -> memref<1x128x128xf32, #tpu.memory_space<vmem>>
    %dma_wait3A_19 = tpu.memref_squeeze %dma_wait3A_18 : memref<1x128x128xf32, #tpu.memory_space<vmem>> -> memref<128x128xf32, #tpu.memory_space<vmem>>
    %dma_wait3A_20 = arith.constant 0 : i32
    %dma_wait3A_21 = tpu.memref_slice %arg4[%mul3A_2, %dma_wait3A_20] : memref<204800x128xf32, #tpu.memory_space<hbm>> -> memref<128x128xf32, #tpu.memory_space<hbm>>
    %dma_wait3A_22 = arith.constant 0 : i32
    %dma_wait3A_23 = tpu.memref_slice %arg4[%mul3A_2, %dma_wait3A_22] : memref<204800x128xf32, #tpu.memory_space<hbm>> -> memref<128x128xf32, #tpu.memory_space<hbm>>
    %dma_wait3A_24 = arith.constant 0 : i32
    %dma_wait3A_25 = arith.constant 0 : i32
    %dma_wait3A_26 = tpu.memref_slice %arg6[%dma_wait3A, %dma_wait3A_24, %dma_wait3A_25] : memref<2x128x128xf32, #tpu.memory_space<vmem>> -> memref<1x128x128xf32, #tpu.memory_space<vmem>>
    %dma_wait3A_27 = tpu.memref_squeeze %dma_wait3A_26 : memref<1x128x128xf32, #tpu.memory_space<vmem>> -> memref<128x128xf32, #tpu.memory_space<vmem>>
    tpu.wait_dma2 semaphore(%arg9 : memref<!tpu.dma_semaphore, #tpu.memory_space<semaphore_mem>>) src(%dma_wait3A_27 : memref<128x128xf32, #tpu.memory_space<vmem>>) dst(%dma_wait3A_23 : memref<128x128xf32, #tpu.memory_space<hbm>>)
    %dma_wait3A_28 = arith.constant 1 : i32
    %dma_wait3A_29 = arith.constant 0 : i32
    %dma_wait3A_30 = arith.constant 0 : i32
    %dma_wait3A_31 = tpu.memref_slice %arg6[%dma_wait3A_28, %dma_wait3A_29, %dma_wait3A_30] : memref<2x128x128xf32, #tpu.memory_space<vmem>> -> memref<1x128x128xf32, #tpu.memory_space<vmem>>
    %dma_wait3A_32 = tpu.memref_squeeze %dma_wait3A_31 : memref<1x128x128xf32, #tpu.memory_space<vmem>> -> memref<128x128xf32, #tpu.memory_space<vmem>>
    %dma_wait3A_33 = arith.constant 0 : i32
    %dma_wait3A_34 = tpu.memref_slice %arg4[%mul3A_2, %dma_wait3A_33] : memref<204800x128xf32, #tpu.memory_space<hbm>> -> memref<128x128xf32, #tpu.memory_space<hbm>>
    %dma_wait3A_35 = arith.constant 0 : i32
    %dma_wait3A_36 = tpu.memref_slice %arg4[%mul3A_2, %dma_wait3A_35] : memref<204800x128xf32, #tpu.memory_space<hbm>> -> memref<128x128xf32, #tpu.memory_space<hbm>>
    %dma_wait3A_37 = arith.constant 0 : i32
    %dma_wait3A_38 = arith.constant 0 : i32
    %dma_wait3A_39 = tpu.memref_slice %arg6[%dma_wait3A_28, %dma_wait3A_37, %dma_wait3A_38] : memref<2x128x128xf32, #tpu.memory_space<vmem>> -> memref<1x128x128xf32, #tpu.memory_space<vmem>>
    %dma_wait3A_40 = tpu.memref_squeeze %dma_wait3A_39 : memref<1x128x128xf32, #tpu.memory_space<vmem>> -> memref<128x128xf32, #tpu.memory_space<vmem>>
    tpu.wait_dma2 semaphore(%arg10 : memref<!tpu.dma_semaphore, #tpu.memory_space<semaphore_mem>>) src(%dma_wait3A_40 : memref<128x128xf32, #tpu.memory_space<vmem>>) dst(%dma_wait3A_36 : memref<128x128xf32, #tpu.memory_space<hbm>>)
    return
  }
}

</mosaic_0001>

<sc_bundles>
// kernel: kernel.3.cloned.1.call-start
scs
__scs_entry_jumppad:
0x0: {  	(pc) =	sbr.rel $0x88, $3  }
0x1: {  	(tag) =	ssettag $0x0;
	lr =	simm.s32 $0x1  }
0x2: {  	[smem:$0x3F9F] =	sst lr;
	_ =	strace $0xD0000000  }
0x3: {  	_ = 	snop  }
0x4: {  	_ = 	snop  }
0x5: {  	_ = 	snop  }
0x6: {  	_ = 	snop  }
0x7: {  	_ = 	snop  }
__scs_overlays_trampoline_lowered:
0x8: {  	[smem:$0x3FAE] =	sst s0  }
0x9: {  	[smem:$0x3FAF] =	sst s1  }
0xa: {  	[smem:$0x3FB0] =	sst s2  }
0xb: {  	[smem:$0x3FB1] =	sst s3  }
0xc: {  	[smem:$0x3FB2] =	sst s4  }
0xd: {  	[smem:$0x3FB3] =	sst s5  }
0xe: {  	[smem:$0x3FB4] =	sst s6  }
0xf: {  	[smem:$0x3FB5] =	sst s7  }
0x10: {  	[smem:$0x3FB6] =	sst s8  }
0x11: {  	[smem:$0x3FB7] =	sst s9;
	s0 =	simm.s32 @!p0 $0x0  }
0x12: {  	s1 =	sld [smem:$0x3F9D];
	s0 =	simm.s32 @p0 $0x1  }
0x13: {  	[smem:$0x3FB8] =	sst s0;
	s0 =	simm.s32 @!p1 $0x0  }
0x14: {  	s2 =	sld [smem:$0x3F9C];
	s0 =	simm.s32 @p1 $0x1  }
0x15: {  	[smem:$0x3FB9] =	sst s0;
	s0 =	simm.s32 @!p2 $0x0  }
0x16: {  	s3 =	sld [smem:$0x3FDB];
	s0 =	simm.s32 @p2 $0x1  }
0x17: {  	s4 =	simm.s32 $0x1BF5;
	[smem:$0x3FBB] =	sst s0  }
0x18: {  	s0 =	sld [smem:$0x3F9E];
	_ =	swait.ge [sflag:s4], $0x0  }
0x19: {  	s7 =	sld [smem:$0x3F9F]  }
0x1a: {  	s8 =	sadd.s32 $0xFFFFE003, lr  }
0x1b: {  	s9 =	sadd.s32 $0xFFFFFEF7, lr;
	s5 =	simm.s32 $0xFFFFFFFF;
	p2 =	slt.u32 s8, $0xFFFFF086  }
0x1c: {  	p1 =	slt.u32 s9, $0xF7A;
	s5 =	simm.s32 @!p2 $0x0  }
0x1d: {  	s5 =	simm.s32 @p1 $0x1;
	p0 =	seq.s32 s7, s2  }
0x1e: {  	s7 =	smul.u32 @!p0 $0xF7A, s2;
	p2 =	seq.s32 @!p0 s5, $0x0  }
0x1f: {  	s9 =	smul.u32 $0xF7A, s1;
	s8 =	simm.s32 @!p0 $0x1BF5;
	p2 =	por !p2, p0  }
0x20: {  	[sflag:s8] =	ssyncset.s32 @!p0 $0xFFFFF086;
	s6 =	sadd.s32 @!p0 s3, s7;
	s7 =	simm.s32 @!p0 $0x108  }
0x21: {  	s3 =	sadd.s32 s3, s9;
	s6 =	sadd.s32 @!p0 $0x88, s6;
	s7 =	simm.s32 @p2 $0x1082  }
0x22: {  	[simem:s7], [sflag:s8] =	dma.local @!p0 [hbm:s6], $0xF7A  }
0x23: {  	s9 =	sor.u32 $0xD0000000, s2;
	s6 =	simm.s32 $0x108;
	_ =	swait.ge @!p0 [sflag:s8], $0x0  }
0x24: {  	s3 =	sadd.s32 $0x88, s3;
	s6 =	simm.s32 @!p1 $0x1082;
	[sflag:s4] =	ssyncset.s32 $0xFFFFF086  }
0x25: {  	[simem:s6], [sflag:s4] =	dma.local [hbm:s3], $0xF7A  }
0x26: {  	[smem:$0x3F9F] =	sst s1;
	(tag) =	ssettag s2;
	_ =	strace s9  }
0x27: {  	s1 =	sld [smem:$0x3FAF]  }
0x28: {  	s2 =	sld [smem:$0x3FB0]  }
0x29: {  	s4 =	sld [smem:$0x3FB2]  }
0x2a: {  	p0 =	seq.s32 s5, $0x0;
	s5 =	sld [smem:$0x3FB3]  }
0x2b: {  	s6 =	sld [smem:$0x3FB4]  }
0x2c: {  	s7 =	sld [smem:$0x3FB5]  }
0x2d: {  	s3 =	simm.s32 $0x108;
	s8 =	sld [smem:$0x3FB6]  }
0x2e: {  	s3 =	simm.s32 @!p0 $0x1082;
	s9 =	sld [smem:$0x3FB7]  }
0x2f: {  	lr =	sadd.s32 s0, s3;
	s0 =	sld [smem:$0x3FAE]  }
0x30: {  	s3 =	sld [smem:$0x3FB1]  }
0x31: {  	[smem:$0x3FBA] =	sst s10  }
0x32: {  	s10 =	sld [smem:$0x3FB8];
	_ =	sdelay $0x3  }
0x33: {  	p0 =	seq.s32 s10, $0x1;
	s10 =	sld [smem:$0x3FBA];
	_ =	sdelay $0x3  }
0x34: {  	[smem:$0x3FBA] =	sst s10  }
0x35: {  	s10 =	sld [smem:$0x3FB9];
	_ =	sdelay $0x3  }
0x36: {  	p1 =	seq.s32 s10, $0x1;
	s10 =	sld [smem:$0x3FBA];
	_ =	sdelay $0x3  }
0x37: {  	[smem:$0x3FBA] =	sst s10  }
0x38: {  	s10 =	sld [smem:$0x3FBB]  }
0x39: {  	_ = 	snop;
	(pc) =	sbr.ind lr, $3  }
0x3a: {  	_ = 	snop  }
0x3b: {  	_ = 	snop  }
0x3c: {  	p2 =	seq.s32 s10, $0x1;
	s10 =	sld [smem:$0x3FBA]  }
0x3d: {  	_ =	shalt  }
0x3e: {  	_ =	shalt  }
0x3f: {  	_ =	shalt  }
0x40: {  	_ =	shalt  }
0x41: {  	_ =	shalt  }
0x42: {  	_ =	shalt  }
0x43: {  	_ =	shalt  }
0x44: {  	_ =	shalt  }
0x45: {  	_ =	shalt  }
0x46: {  	_ =	shalt  }
0x47: {  	_ =	shalt  }
0x48: {  	_ =	shalt  }
0x49: {  	_ =	shalt  }
0x4a: {  	_ =	shalt  }
0x4b: {  	_ =	shalt  }
0x4c: {  	_ =	shalt  }
0x4d: {  	_ =	shalt  }
0x4e: {  	_ =	shalt  }
0x4f: {  	_ =	shalt  }
0x50: {  	_ =	shalt  }
0x51: {  	_ =	shalt  }
0x52: {  	_ =	shalt  }
0x53: {  	_ =	shalt  }
0x54: {  	_ =	shalt  }
0x55: {  	_ =	shalt  }
0x56: {  	_ =	shalt  }
0x57: {  	_ =	shalt  }
0x58: {  	_ =	shalt  }
0x59: {  	_ =	shalt  }
0x5a: {  	_ =	shalt  }
0x5b: {  	_ =	shalt  }
0x5c: {  	_ =	shalt  }
0x5d: {  	_ =	shalt  }
0x5e: {  	_ =	shalt  }
0x5f: {  	_ =	shalt  }
0x60: {  	_ =	shalt  }
0x61: {  	_ =	shalt  }
0x62: {  	_ =	shalt  }
0x63: {  	_ =	shalt  }
0x64: {  	_ =	shalt  }
0x65: {  	_ =	shalt  }
0x66: {  	_ =	shalt  }
0x67: {  	_ =	shalt  }
0x68: {  	_ =	shalt  }
0x69: {  	_ =	shalt  }
0x6a: {  	_ =	shalt  }
0x6b: {  	_ =	shalt  }
0x6c: {  	_ =	shalt  }
0x6d: {  	_ =	shalt  }
0x6e: {  	_ =	shalt  }
0x6f: {  	_ =	shalt  }
0x70: {  	_ =	shalt  }
0x71: {  	_ =	shalt  }
0x72: {  	_ =	shalt  }
0x73: {  	_ =	shalt  }
0x74: {  	_ =	shalt  }
0x75: {  	_ =	shalt  }
0x76: {  	_ =	shalt  }
0x77: {  	_ =	shalt  }
0x78: {  	_ =	shalt  }
0x79: {  	_ =	shalt  }
0x7a: {  	_ =	shalt  }
0x7b: {  	_ =	shalt  }
0x7c: {  	_ =	shalt  }
0x7d: {  	_ =	shalt  }
0x7e: {  	_ =	shalt  }
0x7f: {  	_ =	shalt  }
0x80: {  	_ =	shalt  }
0x81: {  	_ =	shalt  }
0x82: {  	_ =	shalt  }
0x83: {  	_ =	shalt  }
0x84: {  	_ =	shalt  }
0x85: {  	_ =	shalt  }
0x86: {  	_ =	shalt  }
0x87: {  	_ =	shalt  }
.Lfunc_end0:
.L_simem_size_0:
called_computation_lowered:
.L_overlay_start_0:
0x88: {  	s2 =	sld [smem:$0x3FD9]  }
0x89: {  	s3 =	sld [smem:$0x3FFE];
	_ =	sdelay $0x1  }
0x8a: {  	s1 =	srdreg.scid  }
0x8b: {  	s0 =	sand.u32 $0x1, s1  }
0x8c: {  	s17 =	sshll.u32 s0, $0xA;
	s2 =	sadd.s32 s3, s2  }
0x8d: {  	s2 =	sadd.s32 s2, s17  }
0x8e: {  	[smem:$0x3FC6] =	sst s2  }
0x8f: {  	_ = 	snop  }
0x90: {  	s2 =	sld [smem:$0x3FD0];
	(tm) =	ssettm $0x1  }
0x91: {  	s18 =	sld [smem:$0x3FFB];
	_ =	sdelay $0x3  }
0x92: {  	_ =	strace s18  }
0x93: {  	s3 =	sld [smem:$0x3FFC];
	_ =	sdelay $0x3  }
0x94: {  	_ =	strace s3  }
0x95: {  	s3 =	sld [smem:$0x3FFD];
	_ =	sdelay $0x3  }
0x96: {  	_ =	strace s3  }
0x97: {  	_ =	strace $0x8FFFFFFF  }
0x98: {  	s19 =	sld [smem:$0x3FDB];
	_ =	sdelay $0x1  }
0x99: {  	s4 =	simm.s32 $_scs_section_size  }
0x9a: {  	s5 =	simm.s32 $_size__tile_overlayer_lowered;
	s6 =	simm.s32 $_tile_overlayer_lowered  }
0x9b: {  	s22 =	simm.s32 $0x1BFF;
	s21 =	sshll.u32 s6, $0x1;
	s3 =	sadd.s32 s4, s19  }
0x9c: {  	s7 =	simm.s32 $0x0;
	s20 =	sshll.u32 s5, $0x1;
	s5 =	sadd.s32 s21, s3  }
0x9d: {  	[timem:s7], [sflag:s22] =	dma.local [hbm:s5], s20  }
0x9e: {  	_ =	swait.ge [sflag:s22], s20  }
0x9f: {  	s4 =	ssub.s32 $0x0, s20;
	[sflag:s22] =	ssyncset.done $0x0  }
0xa0: {  	[sflag:s22] =	ssyncadd.s32 s4;
	_ =	sdelay $0x1  }
0xa1: {  	s23 =	simm.s32 $0x1B8B  }
0xa2: {  	_ =	swait.ge [sflag:s23], $0x1  }
0xa3: {  	[sflag:s23] =	ssyncset.done $0x0  }
0xa4: {  	s25 =	simm.s32 $0x1B8E;
	s24 =	sld [smem:$0x3FFE];
	[sflag:s23] =	ssyncadd.s32 $0xFFFFFFFF  }
0xa5: {  	s26 =	simm.s32 $execute0_lowered;
	[smem:$0x3FD2] =	sst s25  }
0xa6: {  	s5 =	sshll.u32 s26, $0x1;
	_ =	strace $0x80000046;
	[dreg:$0x1] =	wrdreg $0xFFFFFFFF  }
0xa7: {  	s28 =	simm.s32 $_size_execute0_lowered;
	s3 =	sadd.s32 s3, s5;
	[dreg:$0x0] =	wrdreg $0x0  }
0xa8: {  	s5 =	sshll.u32 s28, $0x1;
	[dreg:$0x2] =	wrdreg s3  }
0xa9: {  	[dreg:$0x3] =	wrdreg s5  }
0xaa: {  	[dreg:$0x4] =	wrdreg $0xC0  }
0xab: {  	_ =	task [dreg:s7], $0x5FFFF  }
0xac: {  	[dreg:$0x1] =	wrdreg $0xFFFFFFFF  }
0xad: {  	[dreg:$0x0] =	wrdreg $0x60  }
0xae: {  	[dreg:$0x2] =	wrdreg s24  }
0xaf: {  	[dreg:$0x3] =	wrdreg s2  }
0xb0: {  	[dreg:$0x4] =	wrdreg $0x9  }
0xb1: {  	_ =	task.clear_ibuf [dreg:s7], $0x5FFFF;
	_ =	strace $0x90000046  }
0xb2: {  	s29 =	simm.s32 $0x9;
	_ =	strace $0x80000048  }
0xb3: {  	_ =	swait.ge [sflag:s29], $0x1  }
0xb4: {  	[sflag:s29] =	ssyncadd.s32 $0xFFFFFFFF  }
0xb5: {  	_ =	strace $0x90000048  }
0xb6: {  	_ =	sfence  }
0xb7: {  	s30 =	sld [smem:$0x0];
	_ =	sdelay $0x2  }
0xb8: {  	s31 =	sshll.u32 s1, $0xD;
	s1 =	sshrl.u32 s1, $0x2  }
0xb9: {  	s3 =	sand.u32 $0x4000, s31;
	s1 =	sadd.s32 s1, s30  }
0xba: {  	s0 =	sor.u32 s3, s0;
	s1 =	sshll.u32 s1, $0x11  }
0xbb: {  	s0 =	sor.u32 s1, s0  }
0xbc: {  	s0 =	sadd.s32 $0x8F2B, s0  }
0xbd: {  	[sflag:s0] =	ssyncadd.remote.s32 $0x1  }
0xbe: {  	_ =	sfence.sel $0xFFFF  }
0xbf: {  	[dreg:$0x0] =	wrdreg $0xFFFFFFFF;
	(pc) =	sbr.abs _section_cstart, $3  }
0xc0: {  	[dreg:$0x1] =	wrdreg $0xFFFFFFFF  }
0xc1: {  	_ =	task.clear_ibuf [dreg:s7], $0x2FFFF;
	_ =	strace $0x9FFFFFFF  }
0xc2: {  	(tm) =	ssettm $0x7FFFFFFF  }
0xc3: {  	_ =	shalt  }
tec
execute0_lowered:
.L_overlay_start_1:
0x0: {  	(tag) =	ssettag $0x1  }
0x1: {  	s4 =	rddreg [dreg:$0x0];
	s1 =	srdreg.scid  }
0x2: {  	s0 =	stileid.u32;
	s5 =	rddreg [dreg:$0x1]  }
0x3: {  	s2 =	simm.s32 $0x0;
	s13 =	simm.s32 $0x5;
	s14 =	simm.s32 $0x80  }
0x4: {  	s15 =	simm.s32 $0x1900;
	s16 =	simm.s32 $0x5900;
	s17 =	simm.s32 $0x1  }
0x5: {  	s18 =	simm.s32 $0x3;
	s19 =	simm.s32 $0x100;
	s20 =	simm.s32 $0x2  }
0x6: {  	s21 =	simm.s32 $0x4;
	s22 =	simm.s32 $0x1880;
	s23 =	simm.s32 $0x0  }
0x7: {  	s6 =	sand.u32 $0x1, s1;
	s3 =	sshll.u32 s0, $0x1;
	s10 =	smul.u32 $0x190000, s0  }
0x8: {  	s1 =	rddreg [dreg:$0x2];
	s3 =	sor.u32 s6, s3;
	s12 =	smul.u32 $0xC8000, s6  }
0x9: {  	[smem:$0x7FF] =	sst s2;
	s9 =	ssub.s32 $0x2, s6;
	s7 =	smul.u32 $0x320, s3  }
0xa: {  	_ =	strace $0x80000047;
	s8 =	smul.u32 $0xC8000, s3;
	s11 =	sshrl.u32 s9, $0x1  }
0xb: {  	s3 =	sadd.s32 $0x400, s4;
	s4 =	sadd.s32 $0xF42A00, s4;
	s29 =	ssub.s32 s9, s11  }
0xc: {  	s31 =	sadd.s32 s12, s10;
	s5 =	sadd.s32 s5, s7;
	s30 =	sshrl.u32 s8, $0x3  }
0xd: {  	s6 =	smax.u32 s29, $0x1;
	s12 =	sadd.s32 $0xC000, s31;
	s7 =	sadd.s32 s4, s30  }
0xe: {  	s11 =	sadd.s32 $0x8000, s31;
	s12 =	sshrl.u32 s12, $0x3;
	s8 =	sadd.s32 $0x800, s7  }
0xf: {  	s9 =	sadd.s32 $0x18000, s7;
	s10 =	sadd.s32 $0x18800, s7;
	s12 =	sadd.s32 s12, s4  }
.LBB2_1:
0x10: {  	[tilespmem:s2], [sflag:$0x5] =	stream.linear.gather [hbm4b:s5+s2], $0x1900, $0x38;
	[tilespmem:$0x9900] =	vst v63  }
0x11: {  	_ =	swait.ge [sflag:s13], $0x1900  }
0x12: {  	[sflag:s13] =	ssyncset.done $0x0  }
0x13: {  	[sflag:s13] =	ssyncadd.s32 $0xFFFFE700  }
0x14: {  	[tilespmem:s15], [sflag:$0x1] =	stream.indirect.gather [hbm4b:s3+s14], $0x80, s2, s14, $0xb8;
	[tilespmem:$0x9900] =	vst v63  }
0x15: {  	_ = 	snop  }
0x16: {  	[tilespmem:s16], [sflag:$0x2] =	stream.indirect.gather [hbm4b:s3+s14], $0x80, s14, s14, $0xb8;
	[tilespmem:$0x9900] =	vst v63  }
0x17: {  	_ =	swait.ge [sflag:s17], $0x4000  }
0x18: {  	[sflag:s17] =	ssyncset.done $0x0  }
0x19: {  	[sflag:s17] =	ssyncadd.s32 $0xFFFFC000  }
0x1a: {  	[hbm4b:s7+s2] =	stream.linear.scatter [tilespmem:s15], [sflag:$0x3], $0x4000, $0x38;
	[tilespmem:$0x9900] =	vst v63  }
0x1b: {  	_ =	swait.ge [sflag:s18], $0x4000  }
0x1c: {  	[sflag:s18] =	ssyncset.done $0x0  }
0x1d: {  	[sflag:s18] =	ssyncadd.s32 $0xFFFFC000  }
0x1e: {  	[tilespmem:s15], [sflag:$0x1] =	stream.indirect.gather [hbm4b:s3+s14], $0x80, s19, s14, $0xb8;
	[tilespmem:$0x9900] =	vst v63  }
0x1f: {  	_ =	swait.ge [sflag:s20], $0x4000  }
0x20: {  	[sflag:s20] =	ssyncset.done $0x0  }
0x21: {  	[sflag:s20] =	ssyncadd.s32 $0xFFFFC000  }
0x22: {  	[hbm4b:s8+s2] =	stream.linear.scatter [tilespmem:s16], [sflag:$0x4], $0x4000, $0x38;
	[tilespmem:$0x9900] =	vst v63  }
0x23: {  	_ =	swait.ge [sflag:s21], $0x4000  }
0x24: {  	[sflag:s21] =	ssyncset.done $0x0  }
0x25: {  	s24 =	simm.s32 $0x180;
	[sflag:s21] =	ssyncadd.s32 $0xFFFFC000  }
0x26: {  	[tilespmem:s16], [sflag:$0x2] =	stream.indirect.gather [hbm4b:s3+s14], $0x80, s24, s14, $0xb8;
	[tilespmem:$0x9900] =	vst v63  }
0x27: {  	_ =	swait.ge [sflag:s17], $0x4000  }
0x28: {  	s30 =	sshrl.u32 s11, $0x3;
	[sflag:s17] =	ssyncset.done $0x0  }
0x29: {  	s24 =	sadd.s32 s4, s30;
	[sflag:s17] =	ssyncadd.s32 $0xFFFFC000  }
0x2a: {  	[hbm4b:s24+s2] =	stream.linear.scatter [tilespmem:s15], [sflag:$0x3], $0x4000, $0x38;
	[tilespmem:$0x9900] =	vst v63  }
0x2b: {  	_ =	swait.ge [sflag:s18], $0x4000  }
0x2c: {  	[sflag:s18] =	ssyncset.done $0x0  }
0x2d: {  	s31 =	simm.s32 $0x200;
	[sflag:s18] =	ssyncadd.s32 $0xFFFFC000  }
0x2e: {  	[tilespmem:s15], [sflag:$0x1] =	stream.indirect.gather [hbm4b:s3+s14], $0x80, s31, s14, $0xb8;
	[tilespmem:$0x9900] =	vst v63  }
0x2f: {  	_ =	swait.ge [sflag:s20], $0x4000  }
0x30: {  	s25 =	sadd.s32 $0x8000, s11;
	s28 =	sadd.s32 $0x0, s12;
	[sflag:s20] =	ssyncset.done $0x0  }
0x31: {  	s26 =	simm.s32 $0x300;
	s24 =	simm.s32 $0x1000;
	[sflag:s20] =	ssyncadd.s32 $0xFFFFC000  }
.LBB2_2:
0x32: {  	[hbm4b:s28+s2] =	stream.linear.scatter [tilespmem:s16], [sflag:$0x4], $0x4000, $0x38;
	[tilespmem:$0x9900] =	vst v63  }
0x33: {  	s28 =	smov.u32 s24  }
0x34: {  	p0 =	sne.s32 s24, $0x16000;
	s24 =	sadd.s32 $0x1000, s24;
	_ =	swait.ge [sflag:s21], $0x4000  }
0x35: {  	[sflag:s21] =	ssyncset.done $0x0  }
0x36: {  	s29 =	sadd.s32 $0xFFFFFF80, s26;
	[sflag:s21] =	ssyncadd.s32 $0xFFFFC000  }
0x37: {  	[tilespmem:s16], [sflag:$0x2] =	stream.indirect.gather [hbm4b:s3+s14], $0x80, s29, s14, $0xb8;
	[tilespmem:$0x9900] =	vst v63  }
0x38: {  	_ =	swait.ge [sflag:s17], $0x4000  }
0x39: {  	s29 =	sshrl.u32 s25, $0x3;
	[sflag:s17] =	ssyncset.done $0x0  }
0x3a: {  	s29 =	sadd.s32 s4, s29;
	[sflag:s17] =	ssyncadd.s32 $0xFFFFC000  }
0x3b: {  	[hbm4b:s29+s2] =	stream.linear.scatter [tilespmem:s15], [sflag:$0x3], $0x4000, $0x38;
	[tilespmem:$0x9900] =	vst v63  }
0x3c: {  	_ =	swait.ge [sflag:s18], $0x4000  }
0x3d: {  	[sflag:s18] =	ssyncset.done $0x0  }
.Ltmp0:
0x3e: {  	[sflag:s18] =	ssyncadd.s32 $0xFFFFC000;
	(pc) =	sbr.rel @p0 .LBB2_2-.Ltmp0, $4  }
0x3f: {  	[tilespmem:s15], [sflag:$0x1] =	stream.indirect.gather [hbm4b:s3+s14], $0x80, s26, s14, $0xb8;
	[tilespmem:$0x9900] =	vst v63  }
0x40: {  	_ =	swait.ge [sflag:s20], $0x4000  }
0x41: {  	s25 =	sadd.s32 $0x8000, s25;
	[sflag:s20] =	ssyncset.done $0x0  }
0x42: {  	s28 =	sadd.s32 s28, s12;
	s26 =	sadd.s32 $0x100, s26;
	[sflag:s20] =	ssyncadd.s32 $0xFFFFC000  }
0x43: {  	[hbm4b:s28+s2] =	stream.linear.scatter [tilespmem:s16], [sflag:$0x4], $0x4000, $0x38;
	[tilespmem:$0x9900] =	vst v63  }
0x44: {  	_ =	swait.ge [sflag:s21], $0x4000  }
0x45: {  	[sflag:s21] =	ssyncset.done $0x0  }
0x46: {  	[sflag:s21] =	ssyncadd.s32 $0xFFFFC000  }
0x47: {  	[tilespmem:s16], [sflag:$0x2] =	stream.indirect.gather [hbm4b:s3+s14], $0x80, s22, s14, $0xb8;
	[tilespmem:$0x9900] =	vst v63  }
0x48: {  	_ =	swait.ge [sflag:s17], $0x4000  }
0x49: {  	[sflag:s17] =	ssyncset.done $0x0  }
0x4a: {  	[sflag:s17] =	ssyncadd.s32 $0xFFFFC000  }
0x4b: {  	[hbm4b:s9+s2] =	stream.linear.scatter [tilespmem:s15], [sflag:$0x3], $0x4000, $0x38;
	[tilespmem:$0x9900] =	vst v63  }
0x4c: {  	_ =	swait.ge [sflag:s20], $0x4000  }
0x4d: {  	[sflag:s20] =	ssyncset.done $0x0  }
0x4e: {  	s23 =	sadd.s32 $0x1, s23;
	[sflag:s20] =	ssyncadd.s32 $0xFFFFC000  }
0x4f: {  	[hbm4b:s10+s2] =	stream.linear.scatter [tilespmem:s16], [sflag:$0x4], $0x4000, $0x38;
	[tilespmem:$0x9900] =	vst v63  }
0x50: {  	p0 =	sne.s32 s23, s6;
	_ =	swait.ge [sflag:s18], $0x4000  }
.Ltmp1:
0x51: {  	[sflag:s18] =	ssyncset.done $0x0;
	(pc) =	sbr.rel @p0 .LBB2_1-.Ltmp1, $4  }
0x52: {  	[sflag:s18] =	ssyncadd.s32 $0xFFFFC000  }
0x53: {  	_ =	swait.ge [sflag:s21], $0x4000  }
0x54: {  	[sflag:s21] =	ssyncset.done $0x0  }
0x55: {  	[sflag:s21] =	ssyncadd.s32 $0xFFFFC000  }
0x56: {  	_ =	sfence.sel $0x180000  }
0x57: {  	[bflag:$0x0] =	sbarrier.arrive $0xFFFF  }
0x58: {  	p0 =	sne.s32 s0, $0x0;
	_ =	strace $0x90000047  }
0x59: {  	s0 =	sadd.s32 @!p0 $0x100000, s1;
	[bflag:$0x2] =	sbarrier.arrive $0xFFFF  }
0x5a: {  	[sflag:s0] =	ssyncadd.tile.s32 @!p0 $0x1;
	_ =	shalt  }
.Lfunc_end2:
_tile_overlayer_lowered:
.L_overlay_start_2:
0x5b: {  	(tag) =	ssettag $0x2  }
0x5c: {  	s0 =	rddreg [dreg:$0x0];
	s2 =	stileid.u32  }
0x5d: {  	s1 =	rddreg [dreg:$0x1];
	p0 =	sne.s32 s2, $0x0  }
0x5e: {  	s3 =	rddreg [dreg:$0x2];
	[bflag:$0x3] =	sbarrier.arrive $0xFFFF;
	s2 =	simm.s32 @!p0 $0x1C05  }
0x5f: {  	[timem:s3], [sflag:s2] =	dma.local @!p0 [hbm:s0], s1  }
0x60: {  	s0 =	simm.s32 @!p0 $0x5  }
0x61: {  	_ =	swait.ge @!p0 [sflag:s0], s1  }
0x62: {  	s1 =	ssub.s32 @!p0 $0x0, s1;
	[sflag:s0] =	ssyncset.done @!p0 $0x0  }
0x63: {  	[sflag:s0] =	ssyncadd.s32 @!p0 s1  }
0x64: {  	[bflag:$0x3] =	sbarrier.arrive $0xFFFF  }
0x65: {  	_ =	shalt  }

</sc_bundles>
